<compile_context>
chip_gen: v7x
topology: tpu7x:2x2x1
jax: 0.10.2.dev20260603
libtpu: 0.0.44.dev20260713+nightly
codegen_flags: <defaults>
</compile_context>

<pallas_src>
import functools

import jax
import jax.numpy as jnp
from jax import lax
from jax.experimental import pallas as pl
from jax.experimental.pallas import tpu as pltpu
from jax.experimental.pallas import tpu_sc as plsc

HIDDEN = 4096
NPOP = 8
N_TOKENS = 8192
BT = 512


def _tc_body(x_ref, w_ref, b_ref, hidden_ref, scores_ref):
    xb = x_ref[...]
    hidden_ref[...] = xb
    scores_ref[...] = (
        lax.dot_general(
            xb, w_ref[...], (((1,), (1,)), ((), ())),
            preferred_element_type=jnp.float32,
        )
        + b_ref[...]
    )


def _tc_stage(x, W, b2d):
    return pl.pallas_call(
        _tc_body,
        grid=(N_TOKENS // BT,),
        in_specs=[
            pl.BlockSpec((BT, HIDDEN), lambda i: (i, 0)),
            pl.BlockSpec((NPOP, HIDDEN), lambda i: (0, 0)),
            pl.BlockSpec((1, NPOP), lambda i: (0, 0)),
        ],
        out_specs=[
            pl.BlockSpec((BT, HIDDEN), lambda i: (i, 0)),
            pl.BlockSpec((BT, NPOP), lambda i: (i, 0)),
        ],
        out_shape=[
            jax.ShapeDtypeStruct((N_TOKENS, HIDDEN), jnp.float32),
            jax.ShapeDtypeStruct((N_TOKENS, NPOP), jnp.float32),
        ],
        compiler_params=pltpu.CompilerParams(
            vmem_limit_bytes=100 * 1024 * 1024,
        ),
    )(x, W, b2d)


def _sc_dispatch(scores, pop_ids):
    mesh = plsc.VectorSubcoreMesh(core_axis_name="c", subcore_axis_name="s", num_cores=1)
    nc, ns = mesh.num_cores, mesh.num_subcores
    nw = nc * ns
    chunk = N_TOKENS // nw
    nl = 16

    @functools.partial(
        pl.kernel,
        out_type=jax.ShapeDtypeStruct((N_TOKENS,), jnp.float32),
        mesh=mesh,
        compiler_params=pltpu.CompilerParams(needs_layout_passes=False),
        scratch_types=[
            pltpu.VMEM((chunk,), jnp.int32),
            pltpu.VMEM((chunk * NPOP,), jnp.float32),
            pltpu.VMEM((chunk,), jnp.float32),
            pltpu.SemaphoreType.DMA,
            pltpu.SemaphoreType.DMA,
        ],
    )
    def gather_kernel(scores_hbm, ids_hbm, out_hbm, ids_v, sc_v, out_v,
                      sem_ids, sem_sc):
        wid = lax.axis_index("s") * nc + lax.axis_index("c")
        base = wid * chunk
        ids_cp = pltpu.async_copy(ids_hbm.at[pl.ds(base, chunk)], ids_v, sem_ids)
        sc_cp = pltpu.async_copy(
            scores_hbm.at[pl.ds(base * NPOP, chunk * NPOP)], sc_v, sem_sc)
        ids_cp.wait()
        sc_cp.wait()
        for i in range(chunk // nl):
            pop16 = ids_v[pl.ds(i * nl, nl)]
            row16 = lax.iota(jnp.int32, nl) + (i * nl)
            flat16 = row16 * NPOP + pop16
            out_v[pl.ds(i * nl, nl)] = plsc.load_gather(sc_v, [flat16])
        pltpu.sync_copy(out_v, out_hbm.at[pl.ds(base, chunk)])

    return gather_kernel(scores.reshape(N_TOKENS * NPOP), pop_ids)


def kernel(x, pop_ids, W, b):
    hidden, scores = _tc_stage(x, W, b.reshape(1, NPOP))
    values = _sc_dispatch(scores, pop_ids)
    return hidden, values.reshape(N_TOKENS, 1)

# --- scband reference (transcript-rebuilt; emitter-appended) ---
"""Pipeline reference for scband-policy-893353197582 (READ-ONLY COPY).

The authoritative reference and input builder live on the scoring server;
editing this copy changes nothing except your own understanding.
"""

import jax, jax.numpy as jnp
import numpy as np

HIDDEN = 4096
NPOP = 8
N_TOKENS = 8192

def setup_inputs(seed: int = 0) -> dict:
    key = jax.random.key(seed)
    k1, k2, k3, k4 = jax.random.split(key, 4)
    x = jax.random.normal(k1, (N_TOKENS, HIDDEN), dtype=jnp.float32)
    pop_ids = jax.random.randint(k2, (N_TOKENS,), 0, NPOP, dtype=jnp.int32)
    # Per-population value-head parameters: policy[pop].value = Linear(HIDDEN, 1)
    W = (jax.random.normal(k3, (NPOP, HIDDEN), dtype=jnp.float32) / np.sqrt(HIDDEN)).astype(jnp.float32)
    b = (jax.random.normal(k4, (NPOP,), dtype=jnp.float32) * 0.01).astype(jnp.float32)
    return {"x": x, "pop_ids": pop_ids, "W": W, "b": b}

def reference(x, pop_ids, W, b):
    # Policy.hidden: group tokens by population, apply that population's Hidden
    # module (identity on the state + Linear(HIDDEN, 1) value head), then
    # scatter results back to original token order. Equivalent dense form:
    # gather each token's expert weights and compute a per-token dot product.
    out = x  # Hidden.forward: out = x (identity hidden state)
    Wg = jnp.take(W, pop_ids, axis=0)              # [N, HIDDEN] expert-weight gather
    bg = jnp.take(b, pop_ids, axis=0)              # [N] expert-bias gather
    values = jnp.sum(out * Wg, axis=-1, keepdims=True) + bg[:, None]  # [N, 1]
    # config.TEST is False -> no detach
    hidden = out
    return (hidden, values)

if __name__ == "__main__":
    import jax
    _d = setup_inputs()
    print(jax.jit(kernel)(*tuple(_d.values())))

</pallas_src>

<mosaic_0001>
#map = affine_map<(d0, d1) -> (0)>
module attributes {stable_mosaic.version = 14 : i64} {
  func.func @gather_kernel(%arg0: i32, %arg1: i32, %arg2: memref<65536xf32, #tpu.memory_space<hbm>>, %arg3: memref<8192xi32, #tpu.memory_space<hbm>>, %arg4: memref<8192xf32, #tpu.memory_space<hbm>>, %arg5: memref<512xi32, #tpu.memory_space<vmem>>, %arg6: memref<4096xf32, #tpu.memory_space<vmem>>, %arg7: memref<512xf32, #tpu.memory_space<vmem>>, %arg8: memref<!tpu.dma_semaphore, #tpu.memory_space<semaphore_mem>>, %arg9: memref<!tpu.dma_semaphore, #tpu.memory_space<semaphore_mem>>) attributes {dimension_semantics = [#tpu.dimension_semantics<core_parallel>, #tpu.dimension_semantics<subcore_parallel>], iteration_bounds = array<i64: 1, 16>, scalar_prefetch = 0 : i64, scratch_operands = 5 : i64, tpu.core_type = #tpu.core_type<sc_vector_subcore>, window_params = [{transform_indices = #map}, {transform_indices = #map}, {transform_indices = #map}]} {
    %mul3A = arith.constant 1 : i32
    %mul3A_0 = arith.muli %arg1, %mul3A : i32
    %add3A = arith.addi %mul3A_0, %arg0 : i32
    %mul3A_1 = arith.constant 512 : i32
    %mul3A_2 = arith.muli %add3A, %mul3A_1 : i32
    %dma_start3A = tpu.memref_slice %arg3[%mul3A_2] : memref<8192xi32, #tpu.memory_space<hbm>> -> memref<512xi32, #tpu.memory_space<hbm>>
    %dma_start3A_3 = tpu.memref_slice %arg3[%mul3A_2] : memref<8192xi32, #tpu.memory_space<hbm>> -> memref<512xi32, #tpu.memory_space<hbm>>
    tpu.enqueue_dma source(%dma_start3A_3 : memref<512xi32, #tpu.memory_space<hbm>>) target(%arg5 : memref<512xi32, #tpu.memory_space<vmem>>) target_semaphore(%arg8 : memref<!tpu.dma_semaphore, #tpu.memory_space<semaphore_mem>>)
    %mul3A_4 = arith.constant 8 : i32
    %mul3A_5 = arith.muli %mul3A_2, %mul3A_4 : i32
    %dma_start3A_6 = tpu.memref_slice %arg2[%mul3A_5] : memref<65536xf32, #tpu.memory_space<hbm>> -> memref<4096xf32, #tpu.memory_space<hbm>>
    %dma_start3A_7 = tpu.memref_slice %arg2[%mul3A_5] : memref<65536xf32, #tpu.memory_space<hbm>> -> memref<4096xf32, #tpu.memory_space<hbm>>
    tpu.enqueue_dma source(%dma_start3A_7 : memref<4096xf32, #tpu.memory_space<hbm>>) target(%arg6 : memref<4096xf32, #tpu.memory_space<vmem>>) target_semaphore(%arg9 : memref<!tpu.dma_semaphore, #tpu.memory_space<semaphore_mem>>)
    %dma_wait3A = tpu.memref_slice %arg3[%mul3A_2] : memref<8192xi32, #tpu.memory_space<hbm>> -> memref<512xi32, #tpu.memory_space<hbm>>
    %dma_wait3A_8 = tpu.memref_slice %arg3[%mul3A_2] : memref<8192xi32, #tpu.memory_space<hbm>> -> memref<512xi32, #tpu.memory_space<hbm>>
    tpu.wait_dma2 semaphore(%arg8 : memref<!tpu.dma_semaphore, #tpu.memory_space<semaphore_mem>>) src(%dma_wait3A_8 : memref<512xi32, #tpu.memory_space<hbm>>) dst(%arg5 : memref<512xi32, #tpu.memory_space<vmem>>)
    %dma_wait3A_9 = tpu.memref_slice %arg2[%mul3A_5] : memref<65536xf32, #tpu.memory_space<hbm>> -> memref<4096xf32, #tpu.memory_space<hbm>>
    %dma_wait3A_10 = tpu.memref_slice %arg2[%mul3A_5] : memref<65536xf32, #tpu.memory_space<hbm>> -> memref<4096xf32, #tpu.memory_space<hbm>>
    tpu.wait_dma2 semaphore(%arg9 : memref<!tpu.dma_semaphore, #tpu.memory_space<semaphore_mem>>) src(%dma_wait3A_10 : memref<4096xf32, #tpu.memory_space<hbm>>) dst(%arg6 : memref<4096xf32, #tpu.memory_space<vmem>>)
    %get3A = arith.constant 0 : index
    %get3A_11 = tpu.vector_load %arg5[%get3A] {strides = array<i32>} : memref<512xi32, #tpu.memory_space<vmem>>, vector<16xi32>,
    %iota3A = tpu.iota {dimensions = array<i32: 0>} : vector<16xi32>
    %add3A_12 = arith.constant 0 : i32
    %add3A_13 = vector.broadcast %add3A_12 : i32 to vector<16xi32>
    %add3A_14 = arith.addi %iota3A, %add3A_13 : vector<16xi32>
    %mul3A_15 = arith.constant 8 : i32
    %mul3A_16 = vector.broadcast %mul3A_15 : i32 to vector<16xi32>
    %mul3A_17 = arith.muli %add3A_14, %mul3A_16 : vector<16xi32>
    %add3A_18 = arith.addi %mul3A_17, %get3A_11 : vector<16xi32>
    %gather3A = tpu.vector_load_idx %arg6[%add3A_18] : memref<4096xf32, #tpu.memory_space<vmem>>[vector<16xi32>], vector<16xf32>,
    %swap3A = arith.constant 0 : index
    %swap3A_19 = tpu.vector_load %arg7[%swap3A] {strides = array<i32>} : memref<512xf32, #tpu.memory_space<vmem>>, vector<16xf32>,
    tpu.vector_store %arg7[%swap3A], %gather3A {strides = array<i32>} : memref<512xf32, #tpu.memory_space<vmem>>, vector<16xf32>,
    %get3A_20 = arith.constant 16 : index
    %get3A_21 = tpu.vector_load %arg5[%get3A_20] {strides = array<i32>} : memref<512xi32, #tpu.memory_space<vmem>>, vector<16xi32>,
    %iota3A_22 = tpu.iota {dimensions = array<i32: 0>} : vector<16xi32>
    %add3A_23 = arith.constant 16 : i32
    %add3A_24 = vector.broadcast %add3A_23 : i32 to vector<16xi32>
    %add3A_25 = arith.addi %iota3A_22, %add3A_24 : vector<16xi32>
    %mul3A_26 = arith.constant 8 : i32
    %mul3A_27 = vector.broadcast %mul3A_26 : i32 to vector<16xi32>
    %mul3A_28 = arith.muli %add3A_25, %mul3A_27 : vector<16xi32>
    %add3A_29 = arith.addi %mul3A_28, %get3A_21 : vector<16xi32>
    %gather3A_30 = tpu.vector_load_idx %arg6[%add3A_29] : memref<4096xf32, #tpu.memory_space<vmem>>[vector<16xi32>], vector<16xf32>,
    %swap3A_31 = arith.constant 16 : index
    %swap3A_32 = tpu.vector_load %arg7[%swap3A_31] {strides = array<i32>} : memref<512xf32, #tpu.memory_space<vmem>>, vector<16xf32>,
    tpu.vector_store %arg7[%swap3A_31], %gather3A_30 {strides = array<i32>} : memref<512xf32, #tpu.memory_space<vmem>>, vector<16xf32>,
    %get3A_33 = arith.constant 32 : index
    %get3A_34 = tpu.vector_load %arg5[%get3A_33] {strides = array<i32>} : memref<512xi32, #tpu.memory_space<vmem>>, vector<16xi32>,
    %iota3A_35 = tpu.iota {dimensions = array<i32: 0>} : vector<16xi32>
    %add3A_36 = arith.constant 32 : i32
    %add3A_37 = vector.broadcast %add3A_36 : i32 to vector<16xi32>
    %add3A_38 = arith.addi %iota3A_35, %add3A_37 : vector<16xi32>
    %mul3A_39 = arith.constant 8 : i32
    %mul3A_40 = vector.broadcast %mul3A_39 : i32 to vector<16xi32>
    %mul3A_41 = arith.muli %add3A_38, %mul3A_40 : vector<16xi32>
    %add3A_42 = arith.addi %mul3A_41, %get3A_34 : vector<16xi32>
    %gather3A_43 = tpu.vector_load_idx %arg6[%add3A_42] : memref<4096xf32, #tpu.memory_space<vmem>>[vector<16xi32>], vector<16xf32>,
    %swap3A_44 = arith.constant 32 : index
    %swap3A_45 = tpu.vector_load %arg7[%swap3A_44] {strides = array<i32>} : memref<512xf32, #tpu.memory_space<vmem>>, vector<16xf32>,
    tpu.vector_store %arg7[%swap3A_44], %gather3A_43 {strides = array<i32>} : memref<512xf32, #tpu.memory_space<vmem>>, vector<16xf32>,
    %get3A_46 = arith.constant 48 : index
    %get3A_47 = tpu.vector_load %arg5[%get3A_46] {strides = array<i32>} : memref<512xi32, #tpu.memory_space<vmem>>, vector<16xi32>,
    %iota3A_48 = tpu.iota {dimensions = array<i32: 0>} : vector<16xi32>
    %add3A_49 = arith.constant 48 : i32
    %add3A_50 = vector.broadcast %add3A_49 : i32 to vector<16xi32>
    %add3A_51 = arith.addi %iota3A_48, %add3A_50 : vector<16xi32>
    %mul3A_52 = arith.constant 8 : i32
    %mul3A_53 = vector.broadcast %mul3A_52 : i32 to vector<16xi32>
    %mul3A_54 = arith.muli %add3A_51, %mul3A_53 : vector<16xi32>
    %add3A_55 = arith.addi %mul3A_54, %get3A_47 : vector<16xi32>
    %gather3A_56 = tpu.vector_load_idx %arg6[%add3A_55] : memref<4096xf32, #tpu.memory_space<vmem>>[vector<16xi32>], vector<16xf32>,
    %swap3A_57 = arith.constant 48 : index
    %swap3A_58 = tpu.vector_load %arg7[%swap3A_57] {strides = array<i32>} : memref<512xf32, #tpu.memory_space<vmem>>, vector<16xf32>,
    tpu.vector_store %arg7[%swap3A_57], %gather3A_56 {strides = array<i32>} : memref<512xf32, #tpu.memory_space<vmem>>, vector<16xf32>,
    %get3A_59 = arith.constant 64 : index
    %get3A_60 = tpu.vector_load %arg5[%get3A_59] {strides = array<i32>} : memref<512xi32, #tpu.memory_space<vmem>>, vector<16xi32>,
    %iota3A_61 = tpu.iota {dimensions = array<i32: 0>} : vector<16xi32>
    %add3A_62 = arith.constant 64 : i32
    %add3A_63 = vector.broadcast %add3A_62 : i32 to vector<16xi32>
    %add3A_64 = arith.addi %iota3A_61, %add3A_63 : vector<16xi32>
    %mul3A_65 = arith.constant 8 : i32
    %mul3A_66 = vector.broadcast %mul3A_65 : i32 to vector<16xi32>
    %mul3A_67 = arith.muli %add3A_64, %mul3A_66 : vector<16xi32>
    %add3A_68 = arith.addi %mul3A_67, %get3A_60 : vector<16xi32>
    %gather3A_69 = tpu.vector_load_idx %arg6[%add3A_68] : memref<4096xf32, #tpu.memory_space<vmem>>[vector<16xi32>], vector<16xf32>,
    %swap3A_70 = arith.constant 64 : index
    %swap3A_71 = tpu.vector_load %arg7[%swap3A_70] {strides = array<i32>} : memref<512xf32, #tpu.memory_space<vmem>>, vector<16xf32>,
    tpu.vector_store %arg7[%swap3A_70], %gather3A_69 {strides = array<i32>} : memref<512xf32, #tpu.memory_space<vmem>>, vector<16xf32>,
    %get3A_72 = arith.constant 80 : index
    %get3A_73 = tpu.vector_load %arg5[%get3A_72] {strides = array<i32>} : memref<512xi32, #tpu.memory_space<vmem>>, vector<16xi32>,
    %iota3A_74 = tpu.iota {dimensions = array<i32: 0>} : vector<16xi32>
    %add3A_75 = arith.constant 80 : i32
    %add3A_76 = vector.broadcast %add3A_75 : i32 to vector<16xi32>
    %add3A_77 = arith.addi %iota3A_74, %add3A_76 : vector<16xi32>
    %mul3A_78 = arith.constant 8 : i32
    %mul3A_79 = vector.broadcast %mul3A_78 : i32 to vector<16xi32>
    %mul3A_80 = arith.muli %add3A_77, %mul3A_79 : vector<16xi32>
    %add3A_81 = arith.addi %mul3A_80, %get3A_73 : vector<16xi32>
    %gather3A_82 = tpu.vector_load_idx %arg6[%add3A_81] : memref<4096xf32, #tpu.memory_space<vmem>>[vector<16xi32>], vector<16xf32>,
    %swap3A_83 = arith.constant 80 : index
    %swap3A_84 = tpu.vector_load %arg7[%swap3A_83] {strides = array<i32>} : memref<512xf32, #tpu.memory_space<vmem>>, vector<16xf32>,
    tpu.vector_store %arg7[%swap3A_83], %gather3A_82 {strides = array<i32>} : memref<512xf32, #tpu.memory_space<vmem>>, vector<16xf32>,
    %get3A_85 = arith.constant 96 : index
    %get3A_86 = tpu.vector_load %arg5[%get3A_85] {strides = array<i32>} : memref<512xi32, #tpu.memory_space<vmem>>, vector<16xi32>,
    %iota3A_87 = tpu.iota {dimensions = array<i32: 0>} : vector<16xi32>
    %add3A_88 = arith.constant 96 : i32
    %add3A_89 = vector.broadcast %add3A_88 : i32 to vector<16xi32>
    %add3A_90 = arith.addi %iota3A_87, %add3A_89 : vector<16xi32>
    %mul3A_91 = arith.constant 8 : i32
    %mul3A_92 = vector.broadcast %mul3A_91 : i32 to vector<16xi32>
    %mul3A_93 = arith.muli %add3A_90, %mul3A_92 : vector<16xi32>
    %add3A_94 = arith.addi %mul3A_93, %get3A_86 : vector<16xi32>
    %gather3A_95 = tpu.vector_load_idx %arg6[%add3A_94] : memref<4096xf32, #tpu.memory_space<vmem>>[vector<16xi32>], vector<16xf32>,
    %swap3A_96 = arith.constant 96 : index
    %swap3A_97 = tpu.vector_load %arg7[%swap3A_96] {strides = array<i32>} : memref<512xf32, #tpu.memory_space<vmem>>, vector<16xf32>,
    tpu.vector_store %arg7[%swap3A_96], %gather3A_95 {strides = array<i32>} : memref<512xf32, #tpu.memory_space<vmem>>, vector<16xf32>,
    %get3A_98 = arith.constant 112 : index
    %get3A_99 = tpu.vector_load %arg5[%get3A_98] {strides = array<i32>} : memref<512xi32, #tpu.memory_space<vmem>>, vector<16xi32>,
    %iota3A_100 = tpu.iota {dimensions = array<i32: 0>} : vector<16xi32>
    %add3A_101 = arith.constant 112 : i32
    %add3A_102 = vector.broadcast %add3A_101 : i32 to vector<16xi32>
    %add3A_103 = arith.addi %iota3A_100, %add3A_102 : vector<16xi32>
    %mul3A_104 = arith.constant 8 : i32
    %mul3A_105 = vector.broadcast %mul3A_104 : i32 to vector<16xi32>
    %mul3A_106 = arith.muli %add3A_103, %mul3A_105 : vector<16xi32>
    %add3A_107 = arith.addi %mul3A_106, %get3A_99 : vector<16xi32>
    %gather3A_108 = tpu.vector_load_idx %arg6[%add3A_107] : memref<4096xf32, #tpu.memory_space<vmem>>[vector<16xi32>], vector<16xf32>,
    %swap3A_109 = arith.constant 112 : index
    %swap3A_110 = tpu.vector_load %arg7[%swap3A_109] {strides = array<i32>} : memref<512xf32, #tpu.memory_space<vmem>>, vector<16xf32>,
    tpu.vector_store %arg7[%swap3A_109], %gather3A_108 {strides = array<i32>} : memref<512xf32, #tpu.memory_space<vmem>>, vector<16xf32>,
    %get3A_111 = arith.constant 128 : index
    %get3A_112 = tpu.vector_load %arg5[%get3A_111] {strides = array<i32>} : memref<512xi32, #tpu.memory_space<vmem>>, vector<16xi32>,
    %iota3A_113 = tpu.iota {dimensions = array<i32: 0>} : vector<16xi32>
    %add3A_114 = arith.constant 128 : i32
    %add3A_115 = vector.broadcast %add3A_114 : i32 to vector<16xi32>
    %add3A_116 = arith.addi %iota3A_113, %add3A_115 : vector<16xi32>
    %mul3A_117 = arith.constant 8 : i32
    %mul3A_118 = vector.broadcast %mul3A_117 : i32 to vector<16xi32>
    %mul3A_119 = arith.muli %add3A_116, %mul3A_118 : vector<16xi32>
    %add3A_120 = arith.addi %mul3A_119, %get3A_112 : vector<16xi32>
    %gather3A_121 = tpu.vector_load_idx %arg6[%add3A_120] : memref<4096xf32, #tpu.memory_space<vmem>>[vector<16xi32>], vector<16xf32>,
    %swap3A_122 = arith.constant 128 : index
    %swap3A_123 = tpu.vector_load %arg7[%swap3A_122] {strides = array<i32>} : memref<512xf32, #tpu.memory_space<vmem>>, vector<16xf32>,
    tpu.vector_store %arg7[%swap3A_122], %gather3A_121 {strides = array<i32>} : memref<512xf32, #tpu.memory_space<vmem>>, vector<16xf32>,
    %get3A_124 = arith.constant 144 : index
    %get3A_125 = tpu.vector_load %arg5[%get3A_124] {strides = array<i32>} : memref<512xi32, #tpu.memory_space<vmem>>, vector<16xi32>,
    %iota3A_126 = tpu.iota {dimensions = array<i32: 0>} : vector<16xi32>
    %add3A_127 = arith.constant 144 : i32
    %add3A_128 = vector.broadcast %add3A_127 : i32 to vector<16xi32>
    %add3A_129 = arith.addi %iota3A_126, %add3A_128 : vector<16xi32>
    %mul3A_130 = arith.constant 8 : i32
    %mul3A_131 = vector.broadcast %mul3A_130 : i32 to vector<16xi32>
    %mul3A_132 = arith.muli %add3A_129, %mul3A_131 : vector<16xi32>
    %add3A_133 = arith.addi %mul3A_132, %get3A_125 : vector<16xi32>
    %gather3A_134 = tpu.vector_load_idx %arg6[%add3A_133] : memref<4096xf32, #tpu.memory_space<vmem>>[vector<16xi32>], vector<16xf32>,
    %swap3A_135 = arith.constant 144 : index
    %swap3A_136 = tpu.vector_load %arg7[%swap3A_135] {strides = array<i32>} : memref<512xf32, #tpu.memory_space<vmem>>, vector<16xf32>,
    tpu.vector_store %arg7[%swap3A_135], %gather3A_134 {strides = array<i32>} : memref<512xf32, #tpu.memory_space<vmem>>, vector<16xf32>,
    %get3A_137 = arith.constant 160 : index
    %get3A_138 = tpu.vector_load %arg5[%get3A_137] {strides = array<i32>} : memref<512xi32, #tpu.memory_space<vmem>>, vector<16xi32>,
    %iota3A_139 = tpu.iota {dimensions = array<i32: 0>} : vector<16xi32>
    %add3A_140 = arith.constant 160 : i32
    %add3A_141 = vector.broadcast %add3A_140 : i32 to vector<16xi32>
    %add3A_142 = arith.addi %iota3A_139, %add3A_141 : vector<16xi32>
    %mul3A_143 = arith.constant 8 : i32
    %mul3A_144 = vector.broadcast %mul3A_143 : i32 to vector<16xi32>
    %mul3A_145 = arith.muli %add3A_142, %mul3A_144 : vector<16xi32>
    %add3A_146 = arith.addi %mul3A_145, %get3A_138 : vector<16xi32>
    %gather3A_147 = tpu.vector_load_idx %arg6[%add3A_146] : memref<4096xf32, #tpu.memory_space<vmem>>[vector<16xi32>], vector<16xf32>,
    %swap3A_148 = arith.constant 160 : index
    %swap3A_149 = tpu.vector_load %arg7[%swap3A_148] {strides = array<i32>} : memref<512xf32, #tpu.memory_space<vmem>>, vector<16xf32>,
    tpu.vector_store %arg7[%swap3A_148], %gather3A_147 {strides = array<i32>} : memref<512xf32, #tpu.memory_space<vmem>>, vector<16xf32>,
    %get3A_150 = arith.constant 176 : index
    %get3A_151 = tpu.vector_load %arg5[%get3A_150] {strides = array<i32>} : memref<512xi32, #tpu.memory_space<vmem>>, vector<16xi32>,
    %iota3A_152 = tpu.iota {dimensions = array<i32: 0>} : vector<16xi32>
    %add3A_153 = arith.constant 176 : i32
    %add3A_154 = vector.broadcast %add3A_153 : i32 to vector<16xi32>
    %add3A_155 = arith.addi %iota3A_152, %add3A_154 : vector<16xi32>
    %mul3A_156 = arith.constant 8 : i32
    %mul3A_157 = vector.broadcast %mul3A_156 : i32 to vector<16xi32>
    %mul3A_158 = arith.muli %add3A_155, %mul3A_157 : vector<16xi32>
    %add3A_159 = arith.addi %mul3A_158, %get3A_151 : vector<16xi32>
    %gather3A_160 = tpu.vector_load_idx %arg6[%add3A_159] : memref<4096xf32, #tpu.memory_space<vmem>>[vector<16xi32>], vector<16xf32>,
    %swap3A_161 = arith.constant 176 : index
    %swap3A_162 = tpu.vector_load %arg7[%swap3A_161] {strides = array<i32>} : memref<512xf32, #tpu.memory_space<vmem>>, vector<16xf32>,
    tpu.vector_store %arg7[%swap3A_161], %gather3A_160 {strides = array<i32>} : memref<512xf32, #tpu.memory_space<vmem>>, vector<16xf32>,
    %get3A_163 = arith.constant 192 : index
    %get3A_164 = tpu.vector_load %arg5[%get3A_163] {strides = array<i32>} : memref<512xi32, #tpu.memory_space<vmem>>, vector<16xi32>,
    %iota3A_165 = tpu.iota {dimensions = array<i32: 0>} : vector<16xi32>
    %add3A_166 = arith.constant 192 : i32
    %add3A_167 = vector.broadcast %add3A_166 : i32 to vector<16xi32>
    %add3A_168 = arith.addi %iota3A_165, %add3A_167 : vector<16xi32>
    %mul3A_169 = arith.constant 8 : i32
    %mul3A_170 = vector.broadcast %mul3A_169 : i32 to vector<16xi32>
    %mul3A_171 = arith.muli %add3A_168, %mul3A_170 : vector<16xi32>
    %add3A_172 = arith.addi %mul3A_171, %get3A_164 : vector<16xi32>
    %gather3A_173 = tpu.vector_load_idx %arg6[%add3A_172] : memref<4096xf32, #tpu.memory_space<vmem>>[vector<16xi32>], vector<16xf32>,
    %swap3A_174 = arith.constant 192 : index
    %swap3A_175 = tpu.vector_load %arg7[%swap3A_174] {strides = array<i32>} : memref<512xf32, #tpu.memory_space<vmem>>, vector<16xf32>,
    tpu.vector_store %arg7[%swap3A_174], %gather3A_173 {strides = array<i32>} : memref<512xf32, #tpu.memory_space<vmem>>, vector<16xf32>,
    %get3A_176 = arith.constant 208 : index
    %get3A_177 = tpu.vector_load %arg5[%get3A_176] {strides = array<i32>} : memref<512xi32, #tpu.memory_space<vmem>>, vector<16xi32>,
    %iota3A_178 = tpu.iota {dimensions = array<i32: 0>} : vector<16xi32>
    %add3A_179 = arith.constant 208 : i32
    %add3A_180 = vector.broadcast %add3A_179 : i32 to vector<16xi32>
    %add3A_181 = arith.addi %iota3A_178, %add3A_180 : vector<16xi32>
    %mul3A_182 = arith.constant 8 : i32
    %mul3A_183 = vector.broadcast %mul3A_182 : i32 to vector<16xi32>
    %mul3A_184 = arith.muli %add3A_181, %mul3A_183 : vector<16xi32>
    %add3A_185 = arith.addi %mul3A_184, %get3A_177 : vector<16xi32>
    %gather3A_186 = tpu.vector_load_idx %arg6[%add3A_185] : memref<4096xf32, #tpu.memory_space<vmem>>[vector<16xi32>], vector<16xf32>,
    %swap3A_187 = arith.constant 208 : index
    %swap3A_188 = tpu.vector_load %arg7[%swap3A_187] {strides = array<i32>} : memref<512xf32, #tpu.memory_space<vmem>>, vector<16xf32>,
    tpu.vector_store %arg7[%swap3A_187], %gather3A_186 {strides = array<i32>} : memref<512xf32, #tpu.memory_space<vmem>>, vector<16xf32>,
    %get3A_189 = arith.constant 224 : index
    %get3A_190 = tpu.vector_load %arg5[%get3A_189] {strides = array<i32>} : memref<512xi32, #tpu.memory_space<vmem>>, vector<16xi32>,
    %iota3A_191 = tpu.iota {dimensions = array<i32: 0>} : vector<16xi32>
    %add3A_192 = arith.constant 224 : i32
    %add3A_193 = vector.broadcast %add3A_192 : i32 to vector<16xi32>
    %add3A_194 = arith.addi %iota3A_191, %add3A_193 : vector<16xi32>
    %mul3A_195 = arith.constant 8 : i32
    %mul3A_196 = vector.broadcast %mul3A_195 : i32 to vector<16xi32>
    %mul3A_197 = arith.muli %add3A_194, %mul3A_196 : vector<16xi32>
    %add3A_198 = arith.addi %mul3A_197, %get3A_190 : vector<16xi32>
    %gather3A_199 = tpu.vector_load_idx %arg6[%add3A_198] : memref<4096xf32, #tpu.memory_space<vmem>>[vector<16xi32>], vector<16xf32>,
    %swap3A_200 = arith.constant 224 : index
    %swap3A_201 = tpu.vector_load %arg7[%swap3A_200] {strides = array<i32>} : memref<512xf32, #tpu.memory_space<vmem>>, vector<16xf32>,
    tpu.vector_store %arg7[%swap3A_200], %gather3A_199 {strides = array<i32>} : memref<512xf32, #tpu.memory_space<vmem>>, vector<16xf32>,
    %get3A_202 = arith.constant 240 : index
    %get3A_203 = tpu.vector_load %arg5[%get3A_202] {strides = array<i32>} : memref<512xi32, #tpu.memory_space<vmem>>, vector<16xi32>,
    %iota3A_204 = tpu.iota {dimensions = array<i32: 0>} : vector<16xi32>
    %add3A_205 = arith.constant 240 : i32
    %add3A_206 = vector.broadcast %add3A_205 : i32 to vector<16xi32>
    %add3A_207 = arith.addi %iota3A_204, %add3A_206 : vector<16xi32>
    %mul3A_208 = arith.constant 8 : i32
    %mul3A_209 = vector.broadcast %mul3A_208 : i32 to vector<16xi32>
    %mul3A_210 = arith.muli %add3A_207, %mul3A_209 : vector<16xi32>
    %add3A_211 = arith.addi %mul3A_210, %get3A_203 : vector<16xi32>
    %gather3A_212 = tpu.vector_load_idx %arg6[%add3A_211] : memref<4096xf32, #tpu.memory_space<vmem>>[vector<16xi32>], vector<16xf32>,
    %swap3A_213 = arith.constant 240 : index
    %swap3A_214 = tpu.vector_load %arg7[%swap3A_213] {strides = array<i32>} : memref<512xf32, #tpu.memory_space<vmem>>, vector<16xf32>,
    tpu.vector_store %arg7[%swap3A_213], %gather3A_212 {strides = array<i32>} : memref<512xf32, #tpu.memory_space<vmem>>, vector<16xf32>,
    %get3A_215 = arith.constant 256 : index
    %get3A_216 = tpu.vector_load %arg5[%get3A_215] {strides = array<i32>} : memref<512xi32, #tpu.memory_space<vmem>>, vector<16xi32>,
    %iota3A_217 = tpu.iota {dimensions = array<i32: 0>} : vector<16xi32>
    %add3A_218 = arith.constant 256 : i32
    %add3A_219 = vector.broadcast %add3A_218 : i32 to vector<16xi32>
    %add3A_220 = arith.addi %iota3A_217, %add3A_219 : vector<16xi32>
    %mul3A_221 = arith.constant 8 : i32
    %mul3A_222 = vector.broadcast %mul3A_221 : i32 to vector<16xi32>
    %mul3A_223 = arith.muli %add3A_220, %mul3A_222 : vector<16xi32>
    %add3A_224 = arith.addi %mul3A_223, %get3A_216 : vector<16xi32>
    %gather3A_225 = tpu.vector_load_idx %arg6[%add3A_224] : memref<4096xf32, #tpu.memory_space<vmem>>[vector<16xi32>], vector<16xf32>,
    %swap3A_226 = arith.constant 256 : index
    %swap3A_227 = tpu.vector_load %arg7[%swap3A_226] {strides = array<i32>} : memref<512xf32, #tpu.memory_space<vmem>>, vector<16xf32>,
    tpu.vector_store %arg7[%swap3A_226], %gather3A_225 {strides = array<i32>} : memref<512xf32, #tpu.memory_space<vmem>>, vector<16xf32>,
    %get3A_228 = arith.constant 272 : index
    %get3A_229 = tpu.vector_load %arg5[%get3A_228] {strides = array<i32>} : memref<512xi32, #tpu.memory_space<vmem>>, vector<16xi32>,
    %iota3A_230 = tpu.iota {dimensions = array<i32: 0>} : vector<16xi32>
    %add3A_231 = arith.constant 272 : i32
    %add3A_232 = vector.broadcast %add3A_231 : i32 to vector<16xi32>
    %add3A_233 = arith.addi %iota3A_230, %add3A_232 : vector<16xi32>
    %mul3A_234 = arith.constant 8 : i32
    %mul3A_235 = vector.broadcast %mul3A_234 : i32 to vector<16xi32>
    %mul3A_236 = arith.muli %add3A_233, %mul3A_235 : vector<16xi32>
    %add3A_237 = arith.addi %mul3A_236, %get3A_229 : vector<16xi32>
    %gather3A_238 = tpu.vector_load_idx %arg6[%add3A_237] : memref<4096xf32, #tpu.memory_space<vmem>>[vector<16xi32>], vector<16xf32>,
    %swap3A_239 = arith.constant 272 : index
    %swap3A_240 = tpu.vector_load %arg7[%swap3A_239] {strides = array<i32>} : memref<512xf32, #tpu.memory_space<vmem>>, vector<16xf32>,
    tpu.vector_store %arg7[%swap3A_239], %gather3A_238 {strides = array<i32>} : memref<512xf32, #tpu.memory_space<vmem>>, vector<16xf32>,
    %get3A_241 = arith.constant 288 : index
    %get3A_242 = tpu.vector_load %arg5[%get3A_241] {strides = array<i32>} : memref<512xi32, #tpu.memory_space<vmem>>, vector<16xi32>,
    %iota3A_243 = tpu.iota {dimensions = array<i32: 0>} : vector<16xi32>
    %add3A_244 = arith.constant 288 : i32
    %add3A_245 = vector.broadcast %add3A_244 : i32 to vector<16xi32>
    %add3A_246 = arith.addi %iota3A_243, %add3A_245 : vector<16xi32>
    %mul3A_247 = arith.constant 8 : i32
    %mul3A_248 = vector.broadcast %mul3A_247 : i32 to vector<16xi32>
    %mul3A_249 = arith.muli %add3A_246, %mul3A_248 : vector<16xi32>
    %add3A_250 = arith.addi %mul3A_249, %get3A_242 : vector<16xi32>
    %gather3A_251 = tpu.vector_load_idx %arg6[%add3A_250] : memref<4096xf32, #tpu.memory_space<vmem>>[vector<16xi32>], vector<16xf32>,
    %swap3A_252 = arith.constant 288 : index
    %swap3A_253 = tpu.vector_load %arg7[%swap3A_252] {strides = array<i32>} : memref<512xf32, #tpu.memory_space<vmem>>, vector<16xf32>,
    tpu.vector_store %arg7[%swap3A_252], %gather3A_251 {strides = array<i32>} : memref<512xf32, #tpu.memory_space<vmem>>, vector<16xf32>,
    %get3A_254 = arith.constant 304 : index
    %get3A_255 = tpu.vector_load %arg5[%get3A_254] {strides = array<i32>} : memref<512xi32, #tpu.memory_space<vmem>>, vector<16xi32>,
    %iota3A_256 = tpu.iota {dimensions = array<i32: 0>} : vector<16xi32>
    %add3A_257 = arith.constant 304 : i32
    %add3A_258 = vector.broadcast %add3A_257 : i32 to vector<16xi32>
    %add3A_259 = arith.addi %iota3A_256, %add3A_258 : vector<16xi32>
    %mul3A_260 = arith.constant 8 : i32
    %mul3A_261 = vector.broadcast %mul3A_260 : i32 to vector<16xi32>
    %mul3A_262 = arith.muli %add3A_259, %mul3A_261 : vector<16xi32>
    %add3A_263 = arith.addi %mul3A_262, %get3A_255 : vector<16xi32>
    %gather3A_264 = tpu.vector_load_idx %arg6[%add3A_263] : memref<4096xf32, #tpu.memory_space<vmem>>[vector<16xi32>], vector<16xf32>,
    %swap3A_265 = arith.constant 304 : index
    %swap3A_266 = tpu.vector_load %arg7[%swap3A_265] {strides = array<i32>} : memref<512xf32, #tpu.memory_space<vmem>>, vector<16xf32>,
    tpu.vector_store %arg7[%swap3A_265], %gather3A_264 {strides = array<i32>} : memref<512xf32, #tpu.memory_space<vmem>>, vector<16xf32>,
    %get3A_267 = arith.constant 320 : index
    %get3A_268 = tpu.vector_load %arg5[%get3A_267] {strides = array<i32>} : memref<512xi32, #tpu.memory_space<vmem>>, vector<16xi32>,
    %iota3A_269 = tpu.iota {dimensions = array<i32: 0>} : vector<16xi32>
    %add3A_270 = arith.constant 320 : i32
    %add3A_271 = vector.broadcast %add3A_270 : i32 to vector<16xi32>
    %add3A_272 = arith.addi %iota3A_269, %add3A_271 : vector<16xi32>
    %mul3A_273 = arith.constant 8 : i32
    %mul3A_274 = vector.broadcast %mul3A_273 : i32 to vector<16xi32>
    %mul3A_275 = arith.muli %add3A_272, %mul3A_274 : vector<16xi32>
    %add3A_276 = arith.addi %mul3A_275, %get3A_268 : vector<16xi32>
    %gather3A_277 = tpu.vector_load_idx %arg6[%add3A_276] : memref<4096xf32, #tpu.memory_space<vmem>>[vector<16xi32>], vector<16xf32>,
    %swap3A_278 = arith.constant 320 : index
    %swap3A_279 = tpu.vector_load %arg7[%swap3A_278] {strides = array<i32>} : memref<512xf32, #tpu.memory_space<vmem>>, vector<16xf32>,
    tpu.vector_store %arg7[%swap3A_278], %gather3A_277 {strides = array<i32>} : memref<512xf32, #tpu.memory_space<vmem>>, vector<16xf32>,
    %get3A_280 = arith.constant 336 : index
    %get3A_281 = tpu.vector_load %arg5[%get3A_280] {strides = array<i32>} : memref<512xi32, #tpu.memory_space<vmem>>, vector<16xi32>,
    %iota3A_282 = tpu.iota {dimensions = array<i32: 0>} : vector<16xi32>
    %add3A_283 = arith.constant 336 : i32
    %add3A_284 = vector.broadcast %add3A_283 : i32 to vector<16xi32>
    %add3A_285 = arith.addi %iota3A_282, %add3A_284 : vector<16xi32>
    %mul3A_286 = arith.constant 8 : i32
    %mul3A_287 = vector.broadcast %mul3A_286 : i32 to vector<16xi32>
    %mul3A_288 = arith.muli %add3A_285, %mul3A_287 : vector<16xi32>
    %add3A_289 = arith.addi %mul3A_288, %get3A_281 : vector<16xi32>
    %gather3A_290 = tpu.vector_load_idx %arg6[%add3A_289] : memref<4096xf32, #tpu.memory_space<vmem>>[vector<16xi32>], vector<16xf32>,
    %swap3A_291 = arith.constant 336 : index
    %swap3A_292 = tpu.vector_load %arg7[%swap3A_291] {strides = array<i32>} : memref<512xf32, #tpu.memory_space<vmem>>, vector<16xf32>,
    tpu.vector_store %arg7[%swap3A_291], %gather3A_290 {strides = array<i32>} : memref<512xf32, #tpu.memory_space<vmem>>, vector<16xf32>,
    %get3A_293 = arith.constant 352 : index
    %get3A_294 = tpu.vector_load %arg5[%get3A_293] {strides = array<i32>} : memref<512xi32, #tpu.memory_space<vmem>>, vector<16xi32>,
    %iota3A_295 = tpu.iota {dimensions = array<i32: 0>} : vector<16xi32>
    %add3A_296 = arith.constant 352 : i32
    %add3A_297 = vector.broadcast %add3A_296 : i32 to vector<16xi32>
    %add3A_298 = arith.addi %iota3A_295, %add3A_297 : vector<16xi32>
    %mul3A_299 = arith.constant 8 : i32
    %mul3A_300 = vector.broadcast %mul3A_299 : i32 to vector<16xi32>
    %mul3A_301 = arith.muli %add3A_298, %mul3A_300 : vector<16xi32>
    %add3A_302 = arith.addi %mul3A_301, %get3A_294 : vector<16xi32>
    %gather3A_303 = tpu.vector_load_idx %arg6[%add3A_302] : memref<4096xf32, #tpu.memory_space<vmem>>[vector<16xi32>], vector<16xf32>,
    %swap3A_304 = arith.constant 352 : index
    %swap3A_305 = tpu.vector_load %arg7[%swap3A_304] {strides = array<i32>} : memref<512xf32, #tpu.memory_space<vmem>>, vector<16xf32>,
    tpu.vector_store %arg7[%swap3A_304], %gather3A_303 {strides = array<i32>} : memref<512xf32, #tpu.memory_space<vmem>>, vector<16xf32>,
    %get3A_306 = arith.constant 368 : index
    %get3A_307 = tpu.vector_load %arg5[%get3A_306] {strides = array<i32>} : memref<512xi32, #tpu.memory_space<vmem>>, vector<16xi32>,
    %iota3A_308 = tpu.iota {dimensions = array<i32: 0>} : vector<16xi32>
    %add3A_309 = arith.constant 368 : i32
    %add3A_310 = vector.broadcast %add3A_309 : i32 to vector<16xi32>
    %add3A_311 = arith.addi %iota3A_308, %add3A_310 : vector<16xi32>
    %mul3A_312 = arith.constant 8 : i32
    %mul3A_313 = vector.broadcast %mul3A_312 : i32 to vector<16xi32>
    %mul3A_314 = arith.muli %add3A_311, %mul3A_313 : vector<16xi32>
    %add3A_315 = arith.addi %mul3A_314, %get3A_307 : vector<16xi32>
    %gather3A_316 = tpu.vector_load_idx %arg6[%add3A_315] : memref<4096xf32, #tpu.memory_space<vmem>>[vector<16xi32>], vector<16xf32>,
    %swap3A_317 = arith.constant 368 : index
    %swap3A_318 = tpu.vector_load %arg7[%swap3A_317] {strides = array<i32>} : memref<512xf32, #tpu.memory_space<vmem>>, vector<16xf32>,
    tpu.vector_store %arg7[%swap3A_317], %gather3A_316 {strides = array<i32>} : memref<512xf32, #tpu.memory_space<vmem>>, vector<16xf32>,
    %get3A_319 = arith.constant 384 : index
    %get3A_320 = tpu.vector_load %arg5[%get3A_319] {strides = array<i32>} : memref<512xi32, #tpu.memory_space<vmem>>, vector<16xi32>,
    %iota3A_321 = tpu.iota {dimensions = array<i32: 0>} : vector<16xi32>
    %add3A_322 = arith.constant 384 : i32
    %add3A_323 = vector.broadcast %add3A_322 : i32 to vector<16xi32>
    %add3A_324 = arith.addi %iota3A_321, %add3A_323 : vector<16xi32>
    %mul3A_325 = arith.constant 8 : i32
    %mul3A_326 = vector.broadcast %mul3A_325 : i32 to vector<16xi32>
    %mul3A_327 = arith.muli %add3A_324, %mul3A_326 : vector<16xi32>
    %add3A_328 = arith.addi %mul3A_327, %get3A_320 : vector<16xi32>
    %gather3A_329 = tpu.vector_load_idx %arg6[%add3A_328] : memref<4096xf32, #tpu.memory_space<vmem>>[vector<16xi32>], vector<16xf32>,
    %swap3A_330 = arith.constant 384 : index
    %swap3A_331 = tpu.vector_load %arg7[%swap3A_330] {strides = array<i32>} : memref<512xf32, #tpu.memory_space<vmem>>, vector<16xf32>,
    tpu.vector_store %arg7[%swap3A_330], %gather3A_329 {strides = array<i32>} : memref<512xf32, #tpu.memory_space<vmem>>, vector<16xf32>,
    %get3A_332 = arith.constant 400 : index
    %get3A_333 = tpu.vector_load %arg5[%get3A_332] {strides = array<i32>} : memref<512xi32, #tpu.memory_space<vmem>>, vector<16xi32>,
    %iota3A_334 = tpu.iota {dimensions = array<i32: 0>} : vector<16xi32>
    %add3A_335 = arith.constant 400 : i32
    %add3A_336 = vector.broadcast %add3A_335 : i32 to vector<16xi32>
    %add3A_337 = arith.addi %iota3A_334, %add3A_336 : vector<16xi32>
    %mul3A_338 = arith.constant 8 : i32
    %mul3A_339 = vector.broadcast %mul3A_338 : i32 to vector<16xi32>
    %mul3A_340 = arith.muli %add3A_337, %mul3A_339 : vector<16xi32>
    %add3A_341 = arith.addi %mul3A_340, %get3A_333 : vector<16xi32>
    %gather3A_342 = tpu.vector_load_idx %arg6[%add3A_341] : memref<4096xf32, #tpu.memory_space<vmem>>[vector<16xi32>], vector<16xf32>,
    %swap3A_343 = arith.constant 400 : index
    %swap3A_344 = tpu.vector_load %arg7[%swap3A_343] {strides = array<i32>} : memref<512xf32, #tpu.memory_space<vmem>>, vector<16xf32>,
    tpu.vector_store %arg7[%swap3A_343], %gather3A_342 {strides = array<i32>} : memref<512xf32, #tpu.memory_space<vmem>>, vector<16xf32>,
    %get3A_345 = arith.constant 416 : index
    %get3A_346 = tpu.vector_load %arg5[%get3A_345] {strides = array<i32>} : memref<512xi32, #tpu.memory_space<vmem>>, vector<16xi32>,
    %iota3A_347 = tpu.iota {dimensions = array<i32: 0>} : vector<16xi32>
    %add3A_348 = arith.constant 416 : i32
    %add3A_349 = vector.broadcast %add3A_348 : i32 to vector<16xi32>
    %add3A_350 = arith.addi %iota3A_347, %add3A_349 : vector<16xi32>
    %mul3A_351 = arith.constant 8 : i32
    %mul3A_352 = vector.broadcast %mul3A_351 : i32 to vector<16xi32>
    %mul3A_353 = arith.muli %add3A_350, %mul3A_352 : vector<16xi32>
    %add3A_354 = arith.addi %mul3A_353, %get3A_346 : vector<16xi32>
    %gather3A_355 = tpu.vector_load_idx %arg6[%add3A_354] : memref<4096xf32, #tpu.memory_space<vmem>>[vector<16xi32>], vector<16xf32>,
    %swap3A_356 = arith.constant 416 : index
    %swap3A_357 = tpu.vector_load %arg7[%swap3A_356] {strides = array<i32>} : memref<512xf32, #tpu.memory_space<vmem>>, vector<16xf32>,
    tpu.vector_store %arg7[%swap3A_356], %gather3A_355 {strides = array<i32>} : memref<512xf32, #tpu.memory_space<vmem>>, vector<16xf32>,
    %get3A_358 = arith.constant 432 : index
    %get3A_359 = tpu.vector_load %arg5[%get3A_358] {strides = array<i32>} : memref<512xi32, #tpu.memory_space<vmem>>, vector<16xi32>,
    %iota3A_360 = tpu.iota {dimensions = array<i32: 0>} : vector<16xi32>
    %add3A_361 = arith.constant 432 : i32
    %add3A_362 = vector.broadcast %add3A_361 : i32 to vector<16xi32>
    %add3A_363 = arith.addi %iota3A_360, %add3A_362 : vector<16xi32>
    %mul3A_364 = arith.constant 8 : i32
    %mul3A_365 = vector.broadcast %mul3A_364 : i32 to vector<16xi32>
    %mul3A_366 = arith.muli %add3A_363, %mul3A_365 : vector<16xi32>
    %add3A_367 = arith.addi %mul3A_366, %get3A_359 : vector<16xi32>
    %gather3A_368 = tpu.vector_load_idx %arg6[%add3A_367] : memref<4096xf32, #tpu.memory_space<vmem>>[vector<16xi32>], vector<16xf32>,
    %swap3A_369 = arith.constant 432 : index
    %swap3A_370 = tpu.vector_load %arg7[%swap3A_369] {strides = array<i32>} : memref<512xf32, #tpu.memory_space<vmem>>, vector<16xf32>,
    tpu.vector_store %arg7[%swap3A_369], %gather3A_368 {strides = array<i32>} : memref<512xf32, #tpu.memory_space<vmem>>, vector<16xf32>,
    %get3A_371 = arith.constant 448 : index
    %get3A_372 = tpu.vector_load %arg5[%get3A_371] {strides = array<i32>} : memref<512xi32, #tpu.memory_space<vmem>>, vector<16xi32>,
    %iota3A_373 = tpu.iota {dimensions = array<i32: 0>} : vector<16xi32>
    %add3A_374 = arith.constant 448 : i32
    %add3A_375 = vector.broadcast %add3A_374 : i32 to vector<16xi32>
    %add3A_376 = arith.addi %iota3A_373, %add3A_375 : vector<16xi32>
    %mul3A_377 = arith.constant 8 : i32
    %mul3A_378 = vector.broadcast %mul3A_377 : i32 to vector<16xi32>
    %mul3A_379 = arith.muli %add3A_376, %mul3A_378 : vector<16xi32>
    %add3A_380 = arith.addi %mul3A_379, %get3A_372 : vector<16xi32>
    %gather3A_381 = tpu.vector_load_idx %arg6[%add3A_380] : memref<4096xf32, #tpu.memory_space<vmem>>[vector<16xi32>], vector<16xf32>,
    %swap3A_382 = arith.constant 448 : index
    %swap3A_383 = tpu.vector_load %arg7[%swap3A_382] {strides = array<i32>} : memref<512xf32, #tpu.memory_space<vmem>>, vector<16xf32>,
    tpu.vector_store %arg7[%swap3A_382], %gather3A_381 {strides = array<i32>} : memref<512xf32, #tpu.memory_space<vmem>>, vector<16xf32>,
    %get3A_384 = arith.constant 464 : index
    %get3A_385 = tpu.vector_load %arg5[%get3A_384] {strides = array<i32>} : memref<512xi32, #tpu.memory_space<vmem>>, vector<16xi32>,
    %iota3A_386 = tpu.iota {dimensions = array<i32: 0>} : vector<16xi32>
    %add3A_387 = arith.constant 464 : i32
    %add3A_388 = vector.broadcast %add3A_387 : i32 to vector<16xi32>
    %add3A_389 = arith.addi %iota3A_386, %add3A_388 : vector<16xi32>
    %mul3A_390 = arith.constant 8 : i32
    %mul3A_391 = vector.broadcast %mul3A_390 : i32 to vector<16xi32>
    %mul3A_392 = arith.muli %add3A_389, %mul3A_391 : vector<16xi32>
    %add3A_393 = arith.addi %mul3A_392, %get3A_385 : vector<16xi32>
    %gather3A_394 = tpu.vector_load_idx %arg6[%add3A_393] : memref<4096xf32, #tpu.memory_space<vmem>>[vector<16xi32>], vector<16xf32>,
    %swap3A_395 = arith.constant 464 : index
    %swap3A_396 = tpu.vector_load %arg7[%swap3A_395] {strides = array<i32>} : memref<512xf32, #tpu.memory_space<vmem>>, vector<16xf32>,
    tpu.vector_store %arg7[%swap3A_395], %gather3A_394 {strides = array<i32>} : memref<512xf32, #tpu.memory_space<vmem>>, vector<16xf32>,
    %get3A_397 = arith.constant 480 : index
    %get3A_398 = tpu.vector_load %arg5[%get3A_397] {strides = array<i32>} : memref<512xi32, #tpu.memory_space<vmem>>, vector<16xi32>,
    %iota3A_399 = tpu.iota {dimensions = array<i32: 0>} : vector<16xi32>
    %add3A_400 = arith.constant 480 : i32
    %add3A_401 = vector.broadcast %add3A_400 : i32 to vector<16xi32>
    %add3A_402 = arith.addi %iota3A_399, %add3A_401 : vector<16xi32>
    %mul3A_403 = arith.constant 8 : i32
    %mul3A_404 = vector.broadcast %mul3A_403 : i32 to vector<16xi32>
    %mul3A_405 = arith.muli %add3A_402, %mul3A_404 : vector<16xi32>
    %add3A_406 = arith.addi %mul3A_405, %get3A_398 : vector<16xi32>
    %gather3A_407 = tpu.vector_load_idx %arg6[%add3A_406] : memref<4096xf32, #tpu.memory_space<vmem>>[vector<16xi32>], vector<16xf32>,
    %swap3A_408 = arith.constant 480 : index
    %swap3A_409 = tpu.vector_load %arg7[%swap3A_408] {strides = array<i32>} : memref<512xf32, #tpu.memory_space<vmem>>, vector<16xf32>,
    tpu.vector_store %arg7[%swap3A_408], %gather3A_407 {strides = array<i32>} : memref<512xf32, #tpu.memory_space<vmem>>, vector<16xf32>,
    %get3A_410 = arith.constant 496 : index
    %get3A_411 = tpu.vector_load %arg5[%get3A_410] {strides = array<i32>} : memref<512xi32, #tpu.memory_space<vmem>>, vector<16xi32>,
    %iota3A_412 = tpu.iota {dimensions = array<i32: 0>} : vector<16xi32>
    %add3A_413 = arith.constant 496 : i32
    %add3A_414 = vector.broadcast %add3A_413 : i32 to vector<16xi32>
    %add3A_415 = arith.addi %iota3A_412, %add3A_414 : vector<16xi32>
    %mul3A_416 = arith.constant 8 : i32
    %mul3A_417 = vector.broadcast %mul3A_416 : i32 to vector<16xi32>
    %mul3A_418 = arith.muli %add3A_415, %mul3A_417 : vector<16xi32>
    %add3A_419 = arith.addi %mul3A_418, %get3A_411 : vector<16xi32>
    %gather3A_420 = tpu.vector_load_idx %arg6[%add3A_419] : memref<4096xf32, #tpu.memory_space<vmem>>[vector<16xi32>], vector<16xf32>,
    %swap3A_421 = arith.constant 496 : index
    %swap3A_422 = tpu.vector_load %arg7[%swap3A_421] {strides = array<i32>} : memref<512xf32, #tpu.memory_space<vmem>>, vector<16xf32>,
    tpu.vector_store %arg7[%swap3A_421], %gather3A_420 {strides = array<i32>} : memref<512xf32, #tpu.memory_space<vmem>>, vector<16xf32>,
    "tpu.region"() ({
      %run_scoped3A = tpu.sem_alloc : memref<!tpu.dma_semaphore, #tpu.memory_space<semaphore_mem>>
      %dma_start3A_423 = tpu.memref_slice %arg4[%mul3A_2] : memref<8192xf32, #tpu.memory_space<hbm>> -> memref<512xf32, #tpu.memory_space<hbm>>
      %dma_start3A_424 = tpu.memref_slice %arg4[%mul3A_2] : memref<8192xf32, #tpu.memory_space<hbm>> -> memref<512xf32, #tpu.memory_space<hbm>>
      tpu.enqueue_dma source(%arg7 : memref<512xf32, #tpu.memory_space<vmem>>) target(%dma_start3A_424 : memref<512xf32, #tpu.memory_space<hbm>>) target_semaphore(%run_scoped3A : memref<!tpu.dma_semaphore, #tpu.memory_space<semaphore_mem>>)
      %dma_wait3A_425 = tpu.memref_slice %arg4[%mul3A_2] : memref<8192xf32, #tpu.memory_space<hbm>> -> memref<512xf32, #tpu.memory_space<hbm>>
      %dma_wait3A_426 = tpu.memref_slice %arg4[%mul3A_2] : memref<8192xf32, #tpu.memory_space<hbm>> -> memref<512xf32, #tpu.memory_space<hbm>>
      tpu.wait_dma2 semaphore(%run_scoped3A : memref<!tpu.dma_semaphore, #tpu.memory_space<semaphore_mem>>) src(%arg7 : memref<512xf32, #tpu.memory_space<vmem>>) dst(%dma_wait3A_426 : memref<512xf32, #tpu.memory_space<hbm>>)
      tpu.yield
    }) : () -> ()
    return
  }
}

module attributes {stable_mosaic.version = 14 : i64} {
  func.func @_tc_body(%arg0: i32, %arg1: memref<512x4096xf32, #tpu.memory_space<vmem>>, %arg2: memref<8x4096xf32, #tpu.memory_space<vmem>>, %arg3: memref<1x8xf32, #tpu.memory_space<vmem>>, %arg4: memref<512x4096xf32, #tpu.memory_space<vmem>>, %arg5: memref<512x8xf32, #tpu.memory_space<vmem>>) attributes {dimension_semantics = [#tpu.dimension_semantics<arbitrary>], iteration_bounds = array<i64: 16>, scalar_prefetch = 0 : i64, scratch_operands = 0 : i64, tpu.core_type = #tpu.core_type<tc>, window_params = [{transform_indices = @transform_0, window_bounds = array<i64: 512, 4096>}, {pipeline_mode = #tpu.pipeline_mode<synchronous>, transform_indices = @transform_1, window_bounds = array<i64: 8, 4096>}, {pipeline_mode = #tpu.pipeline_mode<synchronous>, transform_indices = @transform_2, window_bounds = array<i64: 1, 8>}, {transform_indices = @transform_3, window_bounds = array<i64: 512, 4096>}, {transform_indices = @transform_4, window_bounds = array<i64: 512, 8>}]} {
    %get3A = arith.constant 0 : index
    %get3A_0 = arith.constant 0 : index
    %get3A_1 = vector.load %arg1[%get3A, %get3A_0] : memref<512x4096xf32, #tpu.memory_space<vmem>>, vector<512x4096xf32>
    %swap3A = arith.constant 0 : index
    %swap3A_2 = arith.constant 0 : index
    %swap3A_3 = vector.load %arg4[%swap3A, %swap3A_2] : memref<512x4096xf32, #tpu.memory_space<vmem>>, vector<512x4096xf32>
    tpu.vector_store %arg4[%swap3A, %swap3A_2], %get3A_1 {strides = array<i32>} : memref<512x4096xf32, #tpu.memory_space<vmem>>, vector<512x4096xf32>,
    %get3A_4 = arith.constant 0 : index
    %get3A_5 = arith.constant 0 : index
    %get3A_6 = vector.load %arg2[%get3A_4, %get3A_5] : memref<8x4096xf32, #tpu.memory_space<vmem>>, vector<8x4096xf32>
    %dot_general3A = arith.constant dense<0.000000e+00> : vector<512x8xf32>
    %dot_general3A_7 = tpu.matmul %get3A_1, %get3A_6, %dot_general3A {dimension_numbers = #tpu.dot_dimension_numbers<[1], [1], [0], [0], [0, 0, 1, 0], [], []>, transpose_lhs_hint = false} : vector<512x4096xf32>, vector<8x4096xf32>, vector<512x8xf32> -> vector<512x8xf32>
    %get3A_8 = arith.constant 0 : index
    %get3A_9 = arith.constant 0 : index
    %get3A_10 = vector.load %arg3[%get3A_8, %get3A_9] : memref<1x8xf32, #tpu.memory_space<vmem>>, vector<1x8xf32>
    %add3A = vector.broadcast %get3A_10 : vector<1x8xf32> to vector<512x8xf32>
    %add3A_11 = arith.addf %dot_general3A_7, %add3A : vector<512x8xf32>
    %swap3A_12 = arith.constant 0 : index
    %swap3A_13 = arith.constant 0 : index
    %swap3A_14 = vector.load %arg5[%swap3A_12, %swap3A_13] : memref<512x8xf32, #tpu.memory_space<vmem>>, vector<512x8xf32>
    tpu.vector_store %arg5[%swap3A_12, %swap3A_13], %add3A_11 {strides = array<i32>} : memref<512x8xf32, #tpu.memory_space<vmem>>, vector<512x8xf32>,
    return
  }
  func.func @transform_0(%arg0: i32) -> (i32, i32) {
    %c0_i32 = arith.constant 0 : i32
    %c0_i32_0 = arith.constant 0 : i32
    return %arg0, %c0_i32 : i32, i32
  }
  func.func @transform_1(%arg0: i32) -> (i32, i32) {
    %c0_i32 = arith.constant 0 : i32
    %c0_i32_0 = arith.constant 0 : i32
    %c0_i32_1 = arith.constant 0 : i32
    return %c0_i32, %c0_i32_0 : i32, i32
  }
  func.func @transform_2(%arg0: i32) -> (i32, i32) {
    %c0_i32 = arith.constant 0 : i32
    %c0_i32_0 = arith.constant 0 : i32
    %c0_i32_1 = arith.constant 0 : i32
    return %c0_i32, %c0_i32_0 : i32, i32
  }
  func.func @transform_3(%arg0: i32) -> (i32, i32) {
    %c0_i32 = arith.constant 0 : i32
    %c0_i32_0 = arith.constant 0 : i32
    return %arg0, %c0_i32 : i32, i32
  }
  func.func @transform_4(%arg0: i32) -> (i32, i32) {
    %c0_i32 = arith.constant 0 : i32
    %c0_i32_0 = arith.constant 0 : i32
    return %arg0, %c0_i32 : i32, i32
  }
}

</mosaic_0001>

<sc_bundles>
// kernel: kernel.4.cloned.1.call-start
scs
__scs_entry_jumppad:
0x0: {  	(pc) =	sbr.rel $0x88, $3  }
0x1: {  	(tag) =	ssettag $0x0;
	lr =	simm.s32 $0x1  }
0x2: {  	[smem:$0x3F9D] =	sst lr;
	_ =	strace $0xD0000000  }
0x3: {  	_ = 	snop  }
0x4: {  	_ = 	snop  }
0x5: {  	_ = 	snop  }
0x6: {  	_ = 	snop  }
0x7: {  	_ = 	snop  }
__scs_overlays_trampoline_lowered:
0x8: {  	[smem:$0x3FAC] =	sst s0  }
0x9: {  	[smem:$0x3FAD] =	sst s1  }
0xa: {  	[smem:$0x3FAE] =	sst s2  }
0xb: {  	[smem:$0x3FAF] =	sst s3  }
0xc: {  	[smem:$0x3FB0] =	sst s4  }
0xd: {  	[smem:$0x3FB1] =	sst s5  }
0xe: {  	[smem:$0x3FB2] =	sst s6  }
0xf: {  	[smem:$0x3FB3] =	sst s7  }
0x10: {  	[smem:$0x3FB4] =	sst s8  }
0x11: {  	[smem:$0x3FB5] =	sst s9;
	s0 =	simm.s32 @!p0 $0x0  }
0x12: {  	s1 =	sld [smem:$0x3F9B];
	s0 =	simm.s32 @p0 $0x1  }
0x13: {  	[smem:$0x3FB6] =	sst s0;
	s0 =	simm.s32 @!p1 $0x0  }
0x14: {  	s2 =	sld [smem:$0x3F9A];
	s0 =	simm.s32 @p1 $0x1  }
0x15: {  	[smem:$0x3FB7] =	sst s0;
	s0 =	simm.s32 @!p2 $0x0  }
0x16: {  	s3 =	sld [smem:$0x3FDB];
	s0 =	simm.s32 @p2 $0x1  }
0x17: {  	s4 =	simm.s32 $0x1BF5;
	[smem:$0x3FB9] =	sst s0  }
0x18: {  	s0 =	sld [smem:$0x3F9C];
	_ =	swait.ge [sflag:s4], $0x0  }
0x19: {  	s7 =	sld [smem:$0x3F9D]  }
0x1a: {  	s8 =	sadd.s32 $0xFFFFE003, lr  }
0x1b: {  	s9 =	sadd.s32 $0xFFFFFEF7, lr;
	s5 =	simm.s32 $0xFFFFFFFF;
	p2 =	slt.u32 s8, $0xFFFFF086  }
0x1c: {  	p1 =	slt.u32 s9, $0xF7A;
	s5 =	simm.s32 @!p2 $0x0  }
0x1d: {  	s5 =	simm.s32 @p1 $0x1;
	p0 =	seq.s32 s7, s2  }
0x1e: {  	s7 =	smul.u32 @!p0 $0xF7A, s2;
	p2 =	seq.s32 @!p0 s5, $0x0  }
0x1f: {  	s9 =	smul.u32 $0xF7A, s1;
	s8 =	simm.s32 @!p0 $0x1BF5;
	p2 =	por !p2, p0  }
0x20: {  	[sflag:s8] =	ssyncset.s32 @!p0 $0xFFFFF086;
	s6 =	sadd.s32 @!p0 s3, s7;
	s7 =	simm.s32 @!p0 $0x108  }
0x21: {  	s3 =	sadd.s32 s3, s9;
	s6 =	sadd.s32 @!p0 $0x88, s6;
	s7 =	simm.s32 @p2 $0x1082  }
0x22: {  	[simem:s7], [sflag:s8] =	dma.local @!p0 [hbm:s6], $0xF7A  }
0x23: {  	s9 =	sor.u32 $0xD0000000, s2;
	s6 =	simm.s32 $0x108;
	_ =	swait.ge @!p0 [sflag:s8], $0x0  }
0x24: {  	s3 =	sadd.s32 $0x88, s3;
	s6 =	simm.s32 @!p1 $0x1082;
	[sflag:s4] =	ssyncset.s32 $0xFFFFF086  }
0x25: {  	[simem:s6], [sflag:s4] =	dma.local [hbm:s3], $0xF7A  }
0x26: {  	[smem:$0x3F9D] =	sst s1;
	(tag) =	ssettag s2;
	_ =	strace s9  }
0x27: {  	s1 =	sld [smem:$0x3FAD]  }
0x28: {  	s2 =	sld [smem:$0x3FAE]  }
0x29: {  	s4 =	sld [smem:$0x3FB0]  }
0x2a: {  	p0 =	seq.s32 s5, $0x0;
	s5 =	sld [smem:$0x3FB1]  }
0x2b: {  	s6 =	sld [smem:$0x3FB2]  }
0x2c: {  	s7 =	sld [smem:$0x3FB3]  }
0x2d: {  	s3 =	simm.s32 $0x108;
	s8 =	sld [smem:$0x3FB4]  }
0x2e: {  	s3 =	simm.s32 @!p0 $0x1082;
	s9 =	sld [smem:$0x3FB5]  }
0x2f: {  	lr =	sadd.s32 s0, s3;
	s0 =	sld [smem:$0x3FAC]  }
0x30: {  	s3 =	sld [smem:$0x3FAF]  }
0x31: {  	[smem:$0x3FB8] =	sst s10  }
0x32: {  	s10 =	sld [smem:$0x3FB6];
	_ =	sdelay $0x3  }
0x33: {  	p0 =	seq.s32 s10, $0x1;
	s10 =	sld [smem:$0x3FB8];
	_ =	sdelay $0x3  }
0x34: {  	[smem:$0x3FB8] =	sst s10  }
0x35: {  	s10 =	sld [smem:$0x3FB7];
	_ =	sdelay $0x3  }
0x36: {  	p1 =	seq.s32 s10, $0x1;
	s10 =	sld [smem:$0x3FB8];
	_ =	sdelay $0x3  }
0x37: {  	[smem:$0x3FB8] =	sst s10  }
0x38: {  	s10 =	sld [smem:$0x3FB9]  }
0x39: {  	_ = 	snop;
	(pc) =	sbr.ind lr, $3  }
0x3a: {  	_ = 	snop  }
0x3b: {  	_ = 	snop  }
0x3c: {  	p2 =	seq.s32 s10, $0x1;
	s10 =	sld [smem:$0x3FB8]  }
0x3d: {  	_ =	shalt  }
0x3e: {  	_ =	shalt  }
0x3f: {  	_ =	shalt  }
0x40: {  	_ =	shalt  }
0x41: {  	_ =	shalt  }
0x42: {  	_ =	shalt  }
0x43: {  	_ =	shalt  }
0x44: {  	_ =	shalt  }
0x45: {  	_ =	shalt  }
0x46: {  	_ =	shalt  }
0x47: {  	_ =	shalt  }
0x48: {  	_ =	shalt  }
0x49: {  	_ =	shalt  }
0x4a: {  	_ =	shalt  }
0x4b: {  	_ =	shalt  }
0x4c: {  	_ =	shalt  }
0x4d: {  	_ =	shalt  }
0x4e: {  	_ =	shalt  }
0x4f: {  	_ =	shalt  }
0x50: {  	_ =	shalt  }
0x51: {  	_ =	shalt  }
0x52: {  	_ =	shalt  }
0x53: {  	_ =	shalt  }
0x54: {  	_ =	shalt  }
0x55: {  	_ =	shalt  }
0x56: {  	_ =	shalt  }
0x57: {  	_ =	shalt  }
0x58: {  	_ =	shalt  }
0x59: {  	_ =	shalt  }
0x5a: {  	_ =	shalt  }
0x5b: {  	_ =	shalt  }
0x5c: {  	_ =	shalt  }
0x5d: {  	_ =	shalt  }
0x5e: {  	_ =	shalt  }
0x5f: {  	_ =	shalt  }
0x60: {  	_ =	shalt  }
0x61: {  	_ =	shalt  }
0x62: {  	_ =	shalt  }
0x63: {  	_ =	shalt  }
0x64: {  	_ =	shalt  }
0x65: {  	_ =	shalt  }
0x66: {  	_ =	shalt  }
0x67: {  	_ =	shalt  }
0x68: {  	_ =	shalt  }
0x69: {  	_ =	shalt  }
0x6a: {  	_ =	shalt  }
0x6b: {  	_ =	shalt  }
0x6c: {  	_ =	shalt  }
0x6d: {  	_ =	shalt  }
0x6e: {  	_ =	shalt  }
0x6f: {  	_ =	shalt  }
0x70: {  	_ =	shalt  }
0x71: {  	_ =	shalt  }
0x72: {  	_ =	shalt  }
0x73: {  	_ =	shalt  }
0x74: {  	_ =	shalt  }
0x75: {  	_ =	shalt  }
0x76: {  	_ =	shalt  }
0x77: {  	_ =	shalt  }
0x78: {  	_ =	shalt  }
0x79: {  	_ =	shalt  }
0x7a: {  	_ =	shalt  }
0x7b: {  	_ =	shalt  }
0x7c: {  	_ =	shalt  }
0x7d: {  	_ =	shalt  }
0x7e: {  	_ =	shalt  }
0x7f: {  	_ =	shalt  }
0x80: {  	_ =	shalt  }
0x81: {  	_ =	shalt  }
0x82: {  	_ =	shalt  }
0x83: {  	_ =	shalt  }
0x84: {  	_ =	shalt  }
0x85: {  	_ =	shalt  }
0x86: {  	_ =	shalt  }
0x87: {  	_ =	shalt  }
.Lfunc_end0:
.L_simem_size_0:
called_computation_lowered:
.L_overlay_start_0:
0x88: {  	s0 =	sld [smem:$0x3FD9]  }
0x89: {  	s1 =	sld [smem:$0x3FFE];
	_ =	sdelay $0x3  }
0x8a: {  	s0 =	sadd.s32 s1, s0  }
0x8b: {  	[smem:$0x3FC4] =	sst s0  }
0x8c: {  	_ = 	snop  }
0x8d: {  	s0 =	sld [smem:$0x3FD0];
	_ =	sdelay $0x2  }
0x8e: {  	s2 =	simm.s32 $0xA;
	s3 =	simm.s32 $0x10;
	s13 =	sld [smem:$0x3FC8]  }
0x8f: {  	[smem:s3], [sflag:s2] =	dma.local [hbm:s0], $0x1  }
0x90: {  	_ =	swait.eq [sflag:s2], $0x1  }
0x91: {  	[sflag:s2] =	ssyncset.done $0x0  }
0x92: {  	[sflag:s2] =	ssyncadd.s32 $0xFFFFFFFF  }
0x93: {  	s14 =	sld [smem:$0x11];
	(tm) =	ssettm $0x1  }
0x94: {  	s15 =	sld [smem:$0x3FFB];
	_ =	sdelay $0x3  }
0x95: {  	_ =	strace s15  }
0x96: {  	s2 =	sld [smem:$0x3FFC];
	_ =	sdelay $0x3  }
0x97: {  	_ =	strace s2  }
0x98: {  	s2 =	sld [smem:$0x3FFD];
	_ =	sdelay $0x3  }
0x99: {  	_ =	strace s2  }
0x9a: {  	_ =	strace $0x8FFFFFFF  }
0x9b: {  	s16 =	sld [smem:$0x3FDB];
	_ =	sdelay $0x1  }
0x9c: {  	s17 =	simm.s32 $_scs_section_size  }
0x9d: {  	s4 =	simm.s32 $_size__tile_overlayer_lowered;
	s5 =	simm.s32 $_tile_overlayer_lowered  }
0x9e: {  	s20 =	simm.s32 $0x1BFF;
	s19 =	sshll.u32 s5, $0x1;
	s2 =	sadd.s32 s17, s16  }
0x9f: {  	s6 =	simm.s32 $0x0;
	s18 =	sshll.u32 s4, $0x1;
	s4 =	sadd.s32 s19, s2  }
0xa0: {  	[timem:s6], [sflag:s20] =	dma.local [hbm:s4], s18  }
0xa1: {  	_ =	swait.ge [sflag:s20], s18  }
0xa2: {  	s3 =	ssub.s32 $0x0, s18;
	[sflag:s20] =	ssyncset.done $0x0  }
0xa3: {  	[sflag:s20] =	ssyncadd.s32 s3;
	_ =	sdelay $0x1  }
0xa4: {  	s21 =	simm.s32 $0x1B8B  }
0xa5: {  	_ =	swait.ge [sflag:s21], $0x1  }
0xa6: {  	[sflag:s21] =	ssyncset.done $0x0  }
0xa7: {  	s23 =	simm.s32 $0x1B8E;
	s22 =	sld [smem:$0x3FFE];
	[sflag:s21] =	ssyncadd.s32 $0xFFFFFFFF  }
0xa8: {  	s24 =	simm.s32 $execute0_lowered;
	[smem:$0x3FD2] =	sst s23  }
0xa9: {  	s4 =	sshll.u32 s24, $0x1;
	_ =	strace $0x80000046;
	[dreg:$0x1] =	wrdreg $0xFFFFFFFF  }
0xaa: {  	s25 =	simm.s32 $_size_execute0_lowered;
	s2 =	sadd.s32 s2, s4;
	[dreg:$0x0] =	wrdreg $0x0  }
0xab: {  	s4 =	sshll.u32 s25, $0x1;
	[dreg:$0x2] =	wrdreg s2  }
0xac: {  	[dreg:$0x3] =	wrdreg s4  }
0xad: {  	[dreg:$0x4] =	wrdreg $0xC0  }
0xae: {  	_ =	task [dreg:s6], $0x5FFFF  }
0xaf: {  	[dreg:$0x1] =	wrdreg $0xFFFFFFFF  }
0xb0: {  	[dreg:$0x0] =	wrdreg $0x60  }
0xb1: {  	[dreg:$0x2] =	wrdreg s22  }
0xb2: {  	[dreg:$0x3] =	wrdreg s13  }
0xb3: {  	[dreg:$0x4] =	wrdreg s14  }
0xb4: {  	[dreg:$0x5] =	wrdreg $0x9  }
0xb5: {  	_ =	task.clear_ibuf [dreg:s6], $0x6FFFF;
	_ =	strace $0x90000046  }
0xb6: {  	s26 =	simm.s32 $0x9;
	_ =	strace $0x80000048  }
0xb7: {  	_ =	swait.ge [sflag:s26], $0x1  }
0xb8: {  	[sflag:s26] =	ssyncadd.s32 $0xFFFFFFFF  }
0xb9: {  	_ =	strace $0x90000048  }
0xba: {  	_ =	sfence  }
0xbb: {  	s28 =	sld [smem:$0x0];
	_ =	sdelay $0x1  }
0xbc: {  	s29 =	srdreg.scid  }
0xbd: {  	s30 =	sshll.u32 s29, $0xD;
	s31 =	sshrl.u32 s29, $0x2  }
0xbe: {  	s1 =	sand.u32 $0x1, s29;
	s2 =	sand.u32 $0x4000, s30;
	s0 =	sadd.s32 s31, s28  }
0xbf: {  	s1 =	sor.u32 s2, s1;
	s0 =	sshll.u32 s0, $0x11  }
0xc0: {  	s0 =	sor.u32 s0, s1  }
0xc1: {  	s0 =	sadd.s32 $0x8F2B, s0  }
0xc2: {  	[sflag:s0] =	ssyncadd.remote.s32 $0x1  }
0xc3: {  	_ =	sfence.sel $0xFFFF  }
0xc4: {  	[dreg:$0x0] =	wrdreg $0xFFFFFFFF;
	(pc) =	sbr.abs _section_cstart, $3  }
0xc5: {  	[dreg:$0x1] =	wrdreg $0xFFFFFFFF  }
0xc6: {  	_ =	task.clear_ibuf [dreg:s6], $0x2FFFF;
	_ =	strace $0x9FFFFFFF  }
0xc7: {  	(tm) =	ssettm $0x7FFFFFFF  }
tec
execute0_lowered:
.L_overlay_start_1:
0x0: {  	(tag) =	ssettag $0x1  }
0x1: {  	s5 =	rddreg [dreg:$0x0]  }
0x2: {  	s6 =	rddreg [dreg:$0x1]  }
0x3: {  	s3 =	rddreg [dreg:$0x2]  }
0x4: {  	s0 =	rddreg [dreg:$0x3];
	s2 =	simm.s32 $0x0;
	s1 =	stileid.u32  }
0x5: {  	[smem:$0x7FF] =	sst s2;
	s7 =	sshll.u32 s1, $0x9;
	s4 =	sshll.u32 s1, $0x6  }
0x6: {  	s5 =	sadd.s32 s7, s5;
	_ =	strace $0x80000047;
	s6 =	sadd.s32 s6, s4  }
0x7: {  	[tilespmem:s2], [sflag:$0x1] =	stream.linear.gather [hbm4b:s6+s2], $0x200, $0x38;
	[tilespmem:$0x1400] =	vst v63  }
0x8: {  	s26 =	simm.s32 $0x200;
	s28 =	simm.s32 $0x1;
	s25 =	sadd.s32 $0x20600, s5  }
0x9: {  	[tilespmem:s26], [sflag:$0x2] =	stream.linear.gather [hbm4b:s25+s2], $0x1000, $0x38;
	[tilespmem:$0x1400] =	vst v63  }
0xa: {  	_ =	swait.ge [sflag:s28], $0x200  }
0xb: {  	[sflag:s28] =	ssyncset.done $0x0  }
0xc: {  	s29 =	simm.s32 $0x2;
	[sflag:s28] =	ssyncadd.s32 $0xFFFFFE00  }
0xd: {  	_ =	swait.ge [sflag:s29], $0x1000  }
0xe: {  	[sflag:s29] =	ssyncset.done $0x0  }
0xf: {  	[sflag:s29] =	ssyncadd.s32 $0xFFFFF000  }
0x10: {  	v1 =	vld [tilespmem:$0x0];
	_ =	sdelay $0x1  }
0x11: {  	v0 =	vlaneseq.u32  }
0x12: {  	v0 =	vmul.u32 $0x8, v0;
	_ =	sdelay $0x1  }
0x13: {  	v1 =	vadd.s32 v0, v1  }
0x14: {  	v2 =	vld [tilespmem:$0x10];
	_ =	sdelay $0x3  }
0x15: {  	v3 =	vor.u32 $0x80, v0;
	v1 =	vld.idx.msk [tilespmem:v1+s26+$0x0], $0xffff  }
0x16: {  	v2 =	vadd.s32 v3, v2  }
0x17: {  	v63 =	vld [tilespmem:$0x20];
	_ =	sdelay $0x2  }
0x18: {  	[tilespmem:$0x1200] =	vst v1  }
0x19: {  	v6 =	vor.u32 $0x100, v0;
	v1 =	vld.idx.msk [tilespmem:v2+s26+$0x0], $0xffff  }
0x1a: {  	v2 =	vadd.s32 v6, v63  }
0x1b: {  	v7 =	vld [tilespmem:$0x30];
	_ =	sdelay $0x2  }
0x1c: {  	[tilespmem:$0x1210] =	vst v1  }
0x1d: {  	v8 =	vor.u32 $0x180, v0;
	v1 =	vld.idx.msk [tilespmem:v2+s26+$0x0], $0xffff  }
0x1e: {  	v2 =	vadd.s32 v8, v7  }
0x1f: {  	v9 =	vld [tilespmem:$0x40];
	_ =	sdelay $0x2  }
0x20: {  	[tilespmem:$0x1220] =	vst v1  }
0x21: {  	v10 =	vor.u32 $0x200, v0;
	v1 =	vld.idx.msk [tilespmem:v2+s26+$0x0], $0xffff  }
0x22: {  	v2 =	vadd.s32 v10, v9  }
0x23: {  	v11 =	vld [tilespmem:$0x50];
	_ =	sdelay $0x2  }
0x24: {  	[tilespmem:$0x1230] =	vst v1  }
0x25: {  	v12 =	vor.u32 $0x280, v0;
	v1 =	vld.idx.msk [tilespmem:v2+s26+$0x0], $0xffff  }
0x26: {  	v2 =	vadd.s32 v12, v11  }
0x27: {  	v13 =	vld [tilespmem:$0x60];
	_ =	sdelay $0x2  }
0x28: {  	[tilespmem:$0x1240] =	vst v1  }
0x29: {  	v14 =	vor.u32 $0x300, v0;
	v1 =	vld.idx.msk [tilespmem:v2+s26+$0x0], $0xffff  }
0x2a: {  	v2 =	vadd.s32 v14, v13  }
0x2b: {  	v15 =	vld [tilespmem:$0x70];
	_ =	sdelay $0x2  }
0x2c: {  	[tilespmem:$0x1250] =	vst v1  }
0x2d: {  	v16 =	vor.u32 $0x380, v0;
	v1 =	vld.idx.msk [tilespmem:v2+s26+$0x0], $0xffff  }
0x2e: {  	v2 =	vadd.s32 v16, v15  }
0x2f: {  	v17 =	vld [tilespmem:$0x80];
	_ =	sdelay $0x2  }
0x30: {  	[tilespmem:$0x1260] =	vst v1  }
0x31: {  	v18 =	vor.u32 $0x400, v0;
	v1 =	vld.idx.msk [tilespmem:v2+s26+$0x0], $0xffff  }
0x32: {  	v2 =	vadd.s32 v18, v17  }
0x33: {  	v19 =	vld [tilespmem:$0x90];
	_ =	sdelay $0x2  }
0x34: {  	[tilespmem:$0x1270] =	vst v1  }
0x35: {  	v20 =	vor.u32 $0x480, v0;
	v1 =	vld.idx.msk [tilespmem:v2+s26+$0x0], $0xffff  }
0x36: {  	v2 =	vadd.s32 v20, v19  }
0x37: {  	v21 =	vld [tilespmem:$0xA0];
	_ =	sdelay $0x2  }
0x38: {  	[tilespmem:$0x1280] =	vst v1  }
0x39: {  	v22 =	vor.u32 $0x500, v0;
	v1 =	vld.idx.msk [tilespmem:v2+s26+$0x0], $0xffff  }
0x3a: {  	v2 =	vadd.s32 v22, v21  }
0x3b: {  	v23 =	vld [tilespmem:$0xB0];
	_ =	sdelay $0x2  }
0x3c: {  	[tilespmem:$0x1290] =	vst v1  }
0x3d: {  	v24 =	vor.u32 $0x580, v0;
	v1 =	vld.idx.msk [tilespmem:v2+s26+$0x0], $0xffff  }
0x3e: {  	v2 =	vadd.s32 v24, v23  }
0x3f: {  	v25 =	vld [tilespmem:$0xC0];
	_ =	sdelay $0x2  }
0x40: {  	[tilespmem:$0x12A0] =	vst v1  }
0x41: {  	v26 =	vor.u32 $0x600, v0;
	v1 =	vld.idx.msk [tilespmem:v2+s26+$0x0], $0xffff  }
0x42: {  	v2 =	vadd.s32 v26, v25  }
0x43: {  	v27 =	vld [tilespmem:$0xD0];
	_ =	sdelay $0x2  }
0x44: {  	[tilespmem:$0x12B0] =	vst v1  }
0x45: {  	v28 =	vor.u32 $0x680, v0;
	v1 =	vld.idx.msk [tilespmem:v2+s26+$0x0], $0xffff  }
0x46: {  	v2 =	vadd.s32 v28, v27  }
0x47: {  	v29 =	vld [tilespmem:$0xE0];
	_ =	sdelay $0x2  }
0x48: {  	[tilespmem:$0x12C0] =	vst v1  }
0x49: {  	v30 =	vor.u32 $0x700, v0;
	v1 =	vld.idx.msk [tilespmem:v2+s26+$0x0], $0xffff  }
0x4a: {  	v2 =	vadd.s32 v30, v29  }
0x4b: {  	v31 =	vld [tilespmem:$0xF0];
	_ =	sdelay $0x2  }
0x4c: {  	[tilespmem:$0x12D0] =	vst v1  }
0x4d: {  	v32 =	vor.u32 $0x780, v0;
	v1 =	vld.idx.msk [tilespmem:v2+s26+$0x0], $0xffff  }
0x4e: {  	v2 =	vadd.s32 v32, v31  }
0x4f: {  	v33 =	vld [tilespmem:$0x100];
	_ =	sdelay $0x2  }
0x50: {  	[tilespmem:$0x12E0] =	vst v1  }
0x51: {  	v34 =	vor.u32 $0x800, v0;
	v1 =	vld.idx.msk [tilespmem:v2+s26+$0x0], $0xffff  }
0x52: {  	v2 =	vadd.s32 v34, v33  }
0x53: {  	v35 =	vld [tilespmem:$0x110];
	_ =	sdelay $0x2  }
0x54: {  	[tilespmem:$0x12F0] =	vst v1  }
0x55: {  	v36 =	vor.u32 $0x880, v0;
	v1 =	vld.idx.msk [tilespmem:v2+s26+$0x0], $0xffff  }
0x56: {  	v2 =	vadd.s32 v36, v35  }
0x57: {  	v37 =	vld [tilespmem:$0x120];
	_ =	sdelay $0x2  }
0x58: {  	[tilespmem:$0x1300] =	vst v1  }
0x59: {  	v38 =	vor.u32 $0x900, v0;
	v1 =	vld.idx.msk [tilespmem:v2+s26+$0x0], $0xffff  }
0x5a: {  	v2 =	vadd.s32 v38, v37  }
0x5b: {  	v39 =	vld [tilespmem:$0x130];
	_ =	sdelay $0x2  }
0x5c: {  	[tilespmem:$0x1310] =	vst v1  }
0x5d: {  	v40 =	vor.u32 $0x980, v0;
	v1 =	vld.idx.msk [tilespmem:v2+s26+$0x0], $0xffff  }
0x5e: {  	v2 =	vadd.s32 v40, v39  }
0x5f: {  	v41 =	vld [tilespmem:$0x140];
	_ =	sdelay $0x2  }
0x60: {  	[tilespmem:$0x1320] =	vst v1  }
0x61: {  	v42 =	vor.u32 $0xA00, v0;
	v1 =	vld.idx.msk [tilespmem:v2+s26+$0x0], $0xffff  }
0x62: {  	v2 =	vadd.s32 v42, v41  }
0x63: {  	v43 =	vld [tilespmem:$0x150];
	_ =	sdelay $0x2  }
0x64: {  	[tilespmem:$0x1330] =	vst v1  }
0x65: {  	v44 =	vor.u32 $0xA80, v0;
	v1 =	vld.idx.msk [tilespmem:v2+s26+$0x0], $0xffff  }
0x66: {  	v2 =	vadd.s32 v44, v43  }
0x67: {  	v45 =	vld [tilespmem:$0x160];
	_ =	sdelay $0x2  }
0x68: {  	[tilespmem:$0x1340] =	vst v1  }
0x69: {  	v46 =	vor.u32 $0xB00, v0;
	v1 =	vld.idx.msk [tilespmem:v2+s26+$0x0], $0xffff  }
0x6a: {  	v2 =	vadd.s32 v46, v45  }
0x6b: {  	v47 =	vld [tilespmem:$0x170];
	_ =	sdelay $0x2  }
0x6c: {  	[tilespmem:$0x1350] =	vst v1  }
0x6d: {  	v48 =	vor.u32 $0xB80, v0;
	v1 =	vld.idx.msk [tilespmem:v2+s26+$0x0], $0xffff  }
0x6e: {  	v2 =	vadd.s32 v48, v47  }
0x6f: {  	v49 =	vld [tilespmem:$0x180];
	_ =	sdelay $0x2  }
0x70: {  	[tilespmem:$0x1360] =	vst v1  }
0x71: {  	v50 =	vor.u32 $0xC00, v0;
	v1 =	vld.idx.msk [tilespmem:v2+s26+$0x0], $0xffff  }
0x72: {  	v2 =	vadd.s32 v50, v49  }
0x73: {  	v51 =	vld [tilespmem:$0x190];
	_ =	sdelay $0x2  }
0x74: {  	[tilespmem:$0x1370] =	vst v1  }
0x75: {  	v52 =	vor.u32 $0xC80, v0;
	v1 =	vld.idx.msk [tilespmem:v2+s26+$0x0], $0xffff  }
0x76: {  	v2 =	vadd.s32 v52, v51  }
0x77: {  	v53 =	vld [tilespmem:$0x1A0];
	_ =	sdelay $0x2  }
0x78: {  	[tilespmem:$0x1380] =	vst v1  }
0x79: {  	v54 =	vor.u32 $0xD00, v0;
	v1 =	vld.idx.msk [tilespmem:v2+s26+$0x0], $0xffff  }
0x7a: {  	v2 =	vadd.s32 v54, v53  }
0x7b: {  	v55 =	vld [tilespmem:$0x1B0];
	_ =	sdelay $0x2  }
0x7c: {  	[tilespmem:$0x1390] =	vst v1  }
0x7d: {  	v56 =	vor.u32 $0xD80, v0;
	v1 =	vld.idx.msk [tilespmem:v2+s26+$0x0], $0xffff  }
0x7e: {  	v2 =	vadd.s32 v56, v55  }
0x7f: {  	v57 =	vld [tilespmem:$0x1C0];
	_ =	sdelay $0x2  }
0x80: {  	[tilespmem:$0x13A0] =	vst v1  }
0x81: {  	v58 =	vor.u32 $0xE00, v0;
	v1 =	vld.idx.msk [tilespmem:v2+s26+$0x0], $0xffff  }
0x82: {  	v2 =	vadd.s32 v58, v57  }
0x83: {  	v59 =	vld [tilespmem:$0x1D0];
	_ =	sdelay $0x2  }
0x84: {  	[tilespmem:$0x13B0] =	vst v1  }
0x85: {  	v60 =	vor.u32 $0xE80, v0;
	v1 =	vld.idx.msk [tilespmem:v2+s26+$0x0], $0xffff  }
0x86: {  	v2 =	vadd.s32 v60, v59  }
0x87: {  	v61 =	vld [tilespmem:$0x1E0];
	_ =	sdelay $0x2  }
0x88: {  	[tilespmem:$0x13C0] =	vst v1  }
0x89: {  	v62 =	vor.u32 $0xF00, v0;
	v1 =	vld.idx.msk [tilespmem:v2+s26+$0x0], $0xffff  }
0x8a: {  	v2 =	vadd.s32 v62, v61  }
0x8b: {  	v63 =	vld [tilespmem:$0x1F0];
	_ =	sdelay $0x2  }
0x8c: {  	[tilespmem:$0x13D0] =	vst v1  }
0x8d: {  	v0 =	vor.u32 $0xF80, v0;
	v1 =	vld.idx.msk [tilespmem:v2+s26+$0x0], $0xffff  }
0x8e: {  	v0 =	vadd.s32 v0, v63;
	_ =	sdelay $0x3  }
0x8f: {  	[tilespmem:$0x13E0] =	vst v1  }
0x90: {  	v0 =	vld.idx.msk [tilespmem:v0+s26+$0x0], $0xffff;
	_ =	sdelay $0x4  }
0x91: {  	s30 =	simm.s32 $0x1200;
	s31 =	simm.s32 $0x3;
	s3 =	sadd.s32 s3, s4;
	[tilespmem:$0x13F0] =	vst v0  }
0x92: {  	[hbm4b:s3+s2] =	stream.linear.scatter [tilespmem:s30], [sflag:$0x3], $0x200, $0x38;
	[tilespmem:$0x1400] =	vst v63  }
0x93: {  	_ =	swait.ge [sflag:s31], $0x200  }
0x94: {  	[sflag:s31] =	ssyncset.done $0x0  }
0x95: {  	[sflag:s31] =	ssyncadd.s32 $0xFFFFFE00  }
0x96: {  	_ =	sfence.sel $0x180000  }
0x97: {  	[bflag:$0x0] =	sbarrier.arrive $0xFFFF  }
0x98: {  	p0 =	sne.s32 s1, $0x0;
	_ =	strace $0x90000047  }
0x99: {  	s0 =	sadd.s32 @!p0 $0x100000, s0;
	[bflag:$0x2] =	sbarrier.arrive $0xFFFF  }
0x9a: {  	[sflag:s0] =	ssyncadd.tile.s32 @!p0 $0x1;
	_ =	shalt  }
.Lfunc_end2:
_tile_overlayer_lowered:
.L_overlay_start_2:
0x9b: {  	(tag) =	ssettag $0x2  }
0x9c: {  	s0 =	rddreg [dreg:$0x0];
	s2 =	stileid.u32  }
0x9d: {  	s1 =	rddreg [dreg:$0x1];
	p0 =	sne.s32 s2, $0x0  }
0x9e: {  	s3 =	rddreg [dreg:$0x2];
	[bflag:$0x3] =	sbarrier.arrive $0xFFFF;
	s2 =	simm.s32 @!p0 $0x1C03  }
0x9f: {  	[timem:s3], [sflag:s2] =	dma.local @!p0 [hbm:s0], s1  }
0xa0: {  	s0 =	simm.s32 @!p0 $0x3  }
0xa1: {  	_ =	swait.ge @!p0 [sflag:s0], s1  }
0xa2: {  	s1 =	ssub.s32 @!p0 $0x0, s1;
	[sflag:s0] =	ssyncset.done @!p0 $0x0  }
0xa3: {  	[sflag:s0] =	ssyncadd.s32 @!p0 s1  }
0xa4: {  	[bflag:$0x3] =	sbarrier.arrive $0xFFFF  }
0xa5: {  	_ =	shalt  }

</sc_bundles>
